<compile_context>
chip_gen: v7x
topology: tpu7x:2x2x1
jax: 0.10.2.dev20260603
libtpu: 0.0.44.dev20260713+nightly
codegen_flags: <defaults>
</compile_context>

<pallas_src>
import jax
import jax.numpy as jnp
from jax import lax
from jax.experimental import pallas as pl
from jax.experimental.pallas import tpu as pltpu
from jax.experimental.pallas import tpu_sc as plsc

_ROWS = 16384
_COLS = 4096
_BLOCK_R = 512


def _copy_body(x_ref, o_ref):
    o_ref[...] = x_ref[...]


def _tc_copy(x):
    return pl.pallas_call(
        _copy_body,
        grid=(_ROWS // _BLOCK_R,),
        in_specs=[pl.BlockSpec((_BLOCK_R, _COLS), lambda i: (i, 0))],
        out_specs=pl.BlockSpec((_BLOCK_R, _COLS), lambda i: (i, 0)),
        out_shape=jax.ShapeDtypeStruct((_ROWS, _COLS), jnp.float32),
        compiler_params=pltpu.CompilerParams(
            dimension_semantics=("arbitrary",),
        ),
    )(x)


def _sc_row_body(i1_hbm, x_hbm, row_out_hbm, idx_spmem, idx_smem, row_spmem):
    cid = lax.axis_index("c")

    @pl.when(cid == 0)
    def _():
        pltpu.sync_copy(i1_hbm, idx_spmem)
        pltpu.sync_copy(idx_spmem, idx_smem)
        row = idx_smem[0]
        pltpu.sync_copy(x_hbm.at[pl.ds(row, 1), :], row_spmem)
        pltpu.sync_copy(row_spmem, row_out_hbm)


_sc_make_row = pl.kernel(
    _sc_row_body,
    out_type=jax.ShapeDtypeStruct((1, _COLS), jnp.float32),
    mesh=plsc.ScalarSubcoreMesh(axis_name="c", num_cores=1),
    compiler_params=pltpu.CompilerParams(needs_layout_passes=False),
    scratch_types=[
        pltpu.MemorySpace.VMEM_SHARED((1,), jnp.int32),
        pltpu.SMEM((1,), jnp.int32),
        pltpu.MemorySpace.VMEM_SHARED((1, _COLS), jnp.float32),
    ],
)


def _row_write_body(i1_ref, i2_ref, v_ref, copied_ref, row_ref, o_ref,
                    patched_ref, sem):
    row = i1_ref[0]
    col = i2_ref[0]
    lane = jax.lax.broadcasted_iota(jnp.int32, (1, _COLS), 1)
    patched_ref[...] = jnp.where(lane == col, v_ref[0], row_ref[...])
    put = pltpu.make_async_copy(patched_ref, o_ref.at[pl.ds(row, 1), :], sem)
    put.start()
    put.wait()


def _tc_row_write(copied, row, i1, i2, v):
    return pl.pallas_call(
        _row_write_body,
        in_specs=[
            pl.BlockSpec(memory_space=pltpu.SMEM),
            pl.BlockSpec(memory_space=pltpu.SMEM),
            pl.BlockSpec(memory_space=pltpu.SMEM),
            pl.BlockSpec(memory_space=pl.ANY),
            pl.BlockSpec(memory_space=pltpu.VMEM),
        ],
        out_specs=pl.BlockSpec(memory_space=pl.ANY),
        out_shape=jax.ShapeDtypeStruct((_ROWS, _COLS), jnp.float32),
        input_output_aliases={3: 0},
        scratch_shapes=[
            pltpu.VMEM((1, _COLS), jnp.float32),
            pltpu.SemaphoreType.DMA,
        ],
    )(i1, i2, v, copied, row)


def kernel(input, index1, index2, value):
    i1 = index1.astype(jnp.int32)
    i2 = index2.astype(jnp.int32)
    v = value.astype(jnp.float32)

    row = _sc_make_row(i1, input)
    copied = _tc_copy(input)
    return _tc_row_write(copied, row, i1, i2, v)

# --- scband reference (transcript-rebuilt; emitter-appended) ---
"""Pipeline reference for scband-index-put-zero-module-72894184948263 (READ-ONLY COPY).

The authoritative reference and input builder live on the scoring server;
editing this copy changes nothing except your own understanding.
"""

import jax, jax.numpy as jnp
import numpy as np


def setup_inputs(seed: int = 0) -> dict:
    key = jax.random.key(seed)
    k1, k2, k3, k4 = jax.random.split(key, 4)
    inp = jax.random.normal(k1, (16384, 4096), dtype=jnp.float32)
    index1 = jax.random.randint(k2, (1,), 0, 16384)
    index2 = jax.random.randint(k3, (1,), 0, 4096)
    value = jax.random.normal(k4, (1,), dtype=jnp.float32)
    return {"input": inp, "index1": index1, "index2": index2, "value": value}


def reference(input, index1, index2, value):
    # torch.ops.aten.index_put(input, (index1, index2), value) -- functional
    # scatter-overwrite: returns a copy of `input` with input[index1, index2] = value.
    return input.at[index1, index2].set(value)

if __name__ == "__main__":
    import jax
    _d = setup_inputs()
    print(jax.jit(kernel)(*tuple(_d.values())))

</pallas_src>

<mosaic_0001>
#map = affine_map<(d0) -> (0)>
#map1 = affine_map<(d0) -> (0, 0)>
module attributes {stable_mosaic.version = 14 : i64} {
  func.func @_sc_row_body(%arg0: i32, %arg1: memref<1xi32, #tpu.memory_space<hbm>>, %arg2: memref<16384x4096xf32, #tpu.memory_space<hbm>>, %arg3: memref<1x4096xf32, #tpu.memory_space<hbm>>, %arg4: memref<1xi32, #tpu.memory_space<vmem_shared>>, %arg5: memref<1xi32, #tpu.memory_space<smem>>, %arg6: memref<1x4096xf32, #tpu.memory_space<vmem_shared>>) attributes {dimension_semantics = [#tpu.dimension_semantics<core_parallel>], iteration_bounds = array<i64: 1>, scalar_prefetch = 0 : i64, scratch_operands = 3 : i64, tpu.core_type = #tpu.core_type<sc_scalar_subcore>, window_params = [{transform_indices = #map}, {transform_indices = #map1}, {transform_indices = #map1}]} {
    %eq3A = arith.constant 0 : i32
    %eq3A_0 = arith.cmpi eq, %arg0, %eq3A : i32
    %convert_element_type3A = arith.extui %eq3A_0 : i1 to i32
    %cond3A = arith.constant 0 : i32
    %cond3A_1 = arith.cmpi ne, %convert_element_type3A, %cond3A : i32
    scf.if %cond3A_1 {
      "tpu.region"() ({
        %run_scoped3A = tpu.sem_alloc : memref<!tpu.dma_semaphore, #tpu.memory_space<semaphore_mem>>
        tpu.enqueue_dma source(%arg1 : memref<1xi32, #tpu.memory_space<hbm>>) target(%arg4 : memref<1xi32, #tpu.memory_space<vmem_shared>>) target_semaphore(%run_scoped3A : memref<!tpu.dma_semaphore, #tpu.memory_space<semaphore_mem>>)
        tpu.wait_dma2 semaphore(%run_scoped3A : memref<!tpu.dma_semaphore, #tpu.memory_space<semaphore_mem>>) src(%arg1 : memref<1xi32, #tpu.memory_space<hbm>>) dst(%arg4 : memref<1xi32, #tpu.memory_space<vmem_shared>>)
        tpu.yield
      }) : () -> ()
      "tpu.region"() ({
        %run_scoped3A = tpu.sem_alloc : memref<!tpu.dma_semaphore, #tpu.memory_space<semaphore_mem>>
        tpu.enqueue_dma source(%arg4 : memref<1xi32, #tpu.memory_space<vmem_shared>>) target(%arg5 : memref<1xi32, #tpu.memory_space<smem>>) target_semaphore(%run_scoped3A : memref<!tpu.dma_semaphore, #tpu.memory_space<semaphore_mem>>)
        tpu.wait_dma2 semaphore(%run_scoped3A : memref<!tpu.dma_semaphore, #tpu.memory_space<semaphore_mem>>) src(%arg4 : memref<1xi32, #tpu.memory_space<vmem_shared>>) dst(%arg5 : memref<1xi32, #tpu.memory_space<smem>>)
        tpu.yield
      }) : () -> ()
      %get3A = arith.constant 0 : i32
      %get3A_2 = arith.index_cast %get3A : i32 to index
      %get3A_3 = memref.load %arg5[%get3A_2] : memref<1xi32, #tpu.memory_space<smem>>
      "tpu.region"() ({
        %run_scoped3A = tpu.sem_alloc : memref<!tpu.dma_semaphore, #tpu.memory_space<semaphore_mem>>
        %dma_start3A = arith.constant 0 : i32
        %dma_start3A_4 = tpu.memref_slice %arg2[%get3A_3, %dma_start3A] : memref<16384x4096xf32, #tpu.memory_space<hbm>> -> memref<1x4096xf32, #tpu.memory_space<hbm>>
        tpu.enqueue_dma source(%dma_start3A_4 : memref<1x4096xf32, #tpu.memory_space<hbm>>) target(%arg6 : memref<1x4096xf32, #tpu.memory_space<vmem_shared>>) target_semaphore(%run_scoped3A : memref<!tpu.dma_semaphore, #tpu.memory_space<semaphore_mem>>)
        %dma_wait3A = arith.constant 0 : i32
        %dma_wait3A_5 = tpu.memref_slice %arg2[%get3A_3, %dma_wait3A] : memref<16384x4096xf32, #tpu.memory_space<hbm>> -> memref<1x4096xf32, #tpu.memory_space<hbm>>
        tpu.wait_dma2 semaphore(%run_scoped3A : memref<!tpu.dma_semaphore, #tpu.memory_space<semaphore_mem>>) src(%dma_wait3A_5 : memref<1x4096xf32, #tpu.memory_space<hbm>>) dst(%arg6 : memref<1x4096xf32, #tpu.memory_space<vmem_shared>>)
        tpu.yield
      }) : () -> ()
      "tpu.region"() ({
        %run_scoped3A = tpu.sem_alloc : memref<!tpu.dma_semaphore, #tpu.memory_space<semaphore_mem>>
        tpu.enqueue_dma source(%arg6 : memref<1x4096xf32, #tpu.memory_space<vmem_shared>>) target(%arg3 : memref<1x4096xf32, #tpu.memory_space<hbm>>) target_semaphore(%run_scoped3A : memref<!tpu.dma_semaphore, #tpu.memory_space<semaphore_mem>>)
        tpu.wait_dma2 semaphore(%run_scoped3A : memref<!tpu.dma_semaphore, #tpu.memory_space<semaphore_mem>>) src(%arg6 : memref<1x4096xf32, #tpu.memory_space<vmem_shared>>) dst(%arg3 : memref<1x4096xf32, #tpu.memory_space<hbm>>)
        tpu.yield
      }) : () -> ()
    } else {
    }
    return
  }
}

module attributes {stable_mosaic.version = 14 : i64} {
  func.func @_row_write_body(%arg0: memref<1xi32, #tpu.memory_space<smem>>, %arg1: memref<1xi32, #tpu.memory_space<smem>>, %arg2: memref<1xf32, #tpu.memory_space<smem>>, %arg3: memref<16384x4096xf32, #tpu.memory_space<any>>, %arg4: memref<1x4096xf32, #tpu.memory_space<vmem>>, %arg5: memref<16384x4096xf32, #tpu.memory_space<any>>, %arg6: memref<1x4096xf32, #tpu.memory_space<vmem>>, %arg7: memref<!tpu.dma_semaphore, #tpu.memory_space<semaphore_mem>>) attributes {dimension_semantics = [], scalar_prefetch = 0 : i64, scratch_operands = 2 : i64, tpu.core_type = #tpu.core_type<tc>} {
    %get3A = arith.constant 0 : index
    %get3A_0 = memref.load %arg0[%get3A] : memref<1xi32, #tpu.memory_space<smem>>
    %get3A_1 = arith.constant 0 : index
    %get3A_2 = memref.load %arg1[%get3A_1] : memref<1xi32, #tpu.memory_space<smem>>
    %iota3A = tpu.iota {dimensions = array<i32: 1>} : vector<1x4096xi32>
    %eq3A = vector.broadcast %get3A_2 : i32 to vector<1x4096xi32>
    %eq3A_3 = arith.cmpi eq, %iota3A, %eq3A : vector<1x4096xi32>
    %get3A_4 = arith.constant 0 : index
    %get3A_5 = memref.load %arg2[%get3A_4] : memref<1xf32, #tpu.memory_space<smem>>
    %get3A_6 = arith.constant 0 : index
    %get3A_7 = arith.constant 0 : index
    %get3A_8 = vector.load %arg4[%get3A_6, %get3A_7] : memref<1x4096xf32, #tpu.memory_space<vmem>>, vector<1x4096xf32>
    %broadcast_in_dim3A = vector.broadcast %get3A_5 : f32 to vector<1x4096xf32>
    %select_n3A = arith.select %eq3A_3, %broadcast_in_dim3A, %get3A_8 : vector<1x4096xi1>, vector<1x4096xf32>
    %swap3A = arith.constant 0 : index
    %swap3A_9 = arith.constant 0 : index
    %swap3A_10 = vector.load %arg6[%swap3A, %swap3A_9] : memref<1x4096xf32, #tpu.memory_space<vmem>>, vector<1x4096xf32>
    tpu.vector_store %arg6[%swap3A, %swap3A_9], %select_n3A {strides = array<i32>} : memref<1x4096xf32, #tpu.memory_space<vmem>>, vector<1x4096xf32>,
    %dma_start3A = arith.constant 0 : i32
    %dma_start3A_11 = tpu.memref_slice %arg5[%get3A_0, %dma_start3A] : memref<16384x4096xf32, #tpu.memory_space<any>> -> memref<1x4096xf32, #tpu.memory_space<any>>
    tpu.enqueue_dma source(%arg6 : memref<1x4096xf32, #tpu.memory_space<vmem>>) target(%dma_start3A_11 : memref<1x4096xf32, #tpu.memory_space<any>>) target_semaphore(%arg7 : memref<!tpu.dma_semaphore, #tpu.memory_space<semaphore_mem>>)
    %dma_wait3A = arith.constant 0 : i32
    %dma_wait3A_12 = tpu.memref_slice %arg5[%get3A_0, %dma_wait3A] : memref<16384x4096xf32, #tpu.memory_space<any>> -> memref<1x4096xf32, #tpu.memory_space<any>>
    tpu.wait_dma2 semaphore(%arg7 : memref<!tpu.dma_semaphore, #tpu.memory_space<semaphore_mem>>) src(%arg6 : memref<1x4096xf32, #tpu.memory_space<vmem>>) dst(%dma_wait3A_12 : memref<1x4096xf32, #tpu.memory_space<any>>)
    return
  }
}

module attributes {stable_mosaic.version = 14 : i64} {
  func.func @_copy_body(%arg0: i32, %arg1: memref<512x4096xf32, #tpu.memory_space<vmem>>, %arg2: memref<512x4096xf32, #tpu.memory_space<vmem>>) attributes {dimension_semantics = [#tpu.dimension_semantics<arbitrary>], iteration_bounds = array<i64: 32>, scalar_prefetch = 0 : i64, scratch_operands = 0 : i64, tpu.core_type = #tpu.core_type<tc>, window_params = [{transform_indices = @transform_0, window_bounds = array<i64: 512, 4096>}, {transform_indices = @transform_1, window_bounds = array<i64: 512, 4096>}]} {
    %get3A = arith.constant 0 : index
    %get3A_0 = arith.constant 0 : index
    %get3A_1 = vector.load %arg1[%get3A, %get3A_0] : memref<512x4096xf32, #tpu.memory_space<vmem>>, vector<512x4096xf32>
    %swap3A = arith.constant 0 : index
    %swap3A_2 = arith.constant 0 : index
    %swap3A_3 = vector.load %arg2[%swap3A, %swap3A_2] : memref<512x4096xf32, #tpu.memory_space<vmem>>, vector<512x4096xf32>
    tpu.vector_store %arg2[%swap3A, %swap3A_2], %get3A_1 {strides = array<i32>} : memref<512x4096xf32, #tpu.memory_space<vmem>>, vector<512x4096xf32>,
    return
  }
  func.func @transform_0(%arg0: i32) -> (i32, i32) {
    %c0_i32 = arith.constant 0 : i32
    %c0_i32_0 = arith.constant 0 : i32
    return %arg0, %c0_i32 : i32, i32
  }
  func.func @transform_1(%arg0: i32) -> (i32, i32) {
    %c0_i32 = arith.constant 0 : i32
    %c0_i32_0 = arith.constant 0 : i32
    return %arg0, %c0_i32 : i32, i32
  }
}

</mosaic_0001>

<sc_bundles>
// kernel: kernel.5.cloned.1.call-start
scs
__scs_entry_jumppad:
0x0: {  	(pc) =	sbr.rel $0x88, $3  }
0x1: {  	(tag) =	ssettag $0x0;
	lr =	simm.s32 $0x1  }
0x2: {  	[smem:$0x3F9D] =	sst lr;
	_ =	strace $0xD0000000  }
0x3: {  	_ = 	snop  }
0x4: {  	_ = 	snop  }
0x5: {  	_ = 	snop  }
0x6: {  	_ = 	snop  }
0x7: {  	_ = 	snop  }
__scs_overlays_trampoline_lowered:
0x8: {  	[smem:$0x3FAC] =	sst s0  }
0x9: {  	[smem:$0x3FAD] =	sst s1  }
0xa: {  	[smem:$0x3FAE] =	sst s2  }
0xb: {  	[smem:$0x3FAF] =	sst s3  }
0xc: {  	[smem:$0x3FB0] =	sst s4  }
0xd: {  	[smem:$0x3FB1] =	sst s5  }
0xe: {  	[smem:$0x3FB2] =	sst s6  }
0xf: {  	[smem:$0x3FB3] =	sst s7  }
0x10: {  	[smem:$0x3FB4] =	sst s8  }
0x11: {  	[smem:$0x3FB5] =	sst s9;
	s0 =	simm.s32 @!p0 $0x0  }
0x12: {  	s1 =	sld [smem:$0x3F9B];
	s0 =	simm.s32 @p0 $0x1  }
0x13: {  	[smem:$0x3FB6] =	sst s0;
	s0 =	simm.s32 @!p1 $0x0  }
0x14: {  	s2 =	sld [smem:$0x3F9A];
	s0 =	simm.s32 @p1 $0x1  }
0x15: {  	[smem:$0x3FB7] =	sst s0;
	s0 =	simm.s32 @!p2 $0x0  }
0x16: {  	s3 =	sld [smem:$0x3FDB];
	s0 =	simm.s32 @p2 $0x1  }
0x17: {  	s4 =	simm.s32 $0x1BF5;
	[smem:$0x3FB9] =	sst s0  }
0x18: {  	s0 =	sld [smem:$0x3F9C];
	_ =	swait.ge [sflag:s4], $0x0  }
0x19: {  	s7 =	sld [smem:$0x3F9D]  }
0x1a: {  	s8 =	sadd.s32 $0xFFFFE003, lr  }
0x1b: {  	s9 =	sadd.s32 $0xFFFFFEF7, lr;
	s5 =	simm.s32 $0xFFFFFFFF;
	p2 =	slt.u32 s8, $0xFFFFF086  }
0x1c: {  	p1 =	slt.u32 s9, $0xF7A;
	s5 =	simm.s32 @!p2 $0x0  }
0x1d: {  	s5 =	simm.s32 @p1 $0x1;
	p0 =	seq.s32 s7, s2  }
0x1e: {  	s7 =	smul.u32 @!p0 $0xF7A, s2;
	p2 =	seq.s32 @!p0 s5, $0x0  }
0x1f: {  	s9 =	smul.u32 $0xF7A, s1;
	s8 =	simm.s32 @!p0 $0x1BF5;
	p2 =	por !p2, p0  }
0x20: {  	[sflag:s8] =	ssyncset.s32 @!p0 $0xFFFFF086;
	s6 =	sadd.s32 @!p0 s3, s7;
	s7 =	simm.s32 @!p0 $0x108  }
0x21: {  	s3 =	sadd.s32 s3, s9;
	s6 =	sadd.s32 @!p0 $0x88, s6;
	s7 =	simm.s32 @p2 $0x1082  }
0x22: {  	[simem:s7], [sflag:s8] =	dma.local @!p0 [hbm:s6], $0xF7A  }
0x23: {  	s9 =	sor.u32 $0xD0000000, s2;
	s6 =	simm.s32 $0x108;
	_ =	swait.ge @!p0 [sflag:s8], $0x0  }
0x24: {  	s3 =	sadd.s32 $0x88, s3;
	s6 =	simm.s32 @!p1 $0x1082;
	[sflag:s4] =	ssyncset.s32 $0xFFFFF086  }
0x25: {  	[simem:s6], [sflag:s4] =	dma.local [hbm:s3], $0xF7A  }
0x26: {  	[smem:$0x3F9D] =	sst s1;
	(tag) =	ssettag s2;
	_ =	strace s9  }
0x27: {  	s1 =	sld [smem:$0x3FAD]  }
0x28: {  	s2 =	sld [smem:$0x3FAE]  }
0x29: {  	s4 =	sld [smem:$0x3FB0]  }
0x2a: {  	p0 =	seq.s32 s5, $0x0;
	s5 =	sld [smem:$0x3FB1]  }
0x2b: {  	s6 =	sld [smem:$0x3FB2]  }
0x2c: {  	s7 =	sld [smem:$0x3FB3]  }
0x2d: {  	s3 =	simm.s32 $0x108;
	s8 =	sld [smem:$0x3FB4]  }
0x2e: {  	s3 =	simm.s32 @!p0 $0x1082;
	s9 =	sld [smem:$0x3FB5]  }
0x2f: {  	lr =	sadd.s32 s0, s3;
	s0 =	sld [smem:$0x3FAC]  }
0x30: {  	s3 =	sld [smem:$0x3FAF]  }
0x31: {  	[smem:$0x3FB8] =	sst s10  }
0x32: {  	s10 =	sld [smem:$0x3FB6];
	_ =	sdelay $0x3  }
0x33: {  	p0 =	seq.s32 s10, $0x1;
	s10 =	sld [smem:$0x3FB8];
	_ =	sdelay $0x3  }
0x34: {  	[smem:$0x3FB8] =	sst s10  }
0x35: {  	s10 =	sld [smem:$0x3FB7];
	_ =	sdelay $0x3  }
0x36: {  	p1 =	seq.s32 s10, $0x1;
	s10 =	sld [smem:$0x3FB8];
	_ =	sdelay $0x3  }
0x37: {  	[smem:$0x3FB8] =	sst s10  }
0x38: {  	s10 =	sld [smem:$0x3FB9]  }
0x39: {  	_ = 	snop;
	(pc) =	sbr.ind lr, $3  }
0x3a: {  	_ = 	snop  }
0x3b: {  	_ = 	snop  }
0x3c: {  	p2 =	seq.s32 s10, $0x1;
	s10 =	sld [smem:$0x3FB8]  }
0x3d: {  	_ =	shalt  }
0x3e: {  	_ =	shalt  }
0x3f: {  	_ =	shalt  }
0x40: {  	_ =	shalt  }
0x41: {  	_ =	shalt  }
0x42: {  	_ =	shalt  }
0x43: {  	_ =	shalt  }
0x44: {  	_ =	shalt  }
0x45: {  	_ =	shalt  }
0x46: {  	_ =	shalt  }
0x47: {  	_ =	shalt  }
0x48: {  	_ =	shalt  }
0x49: {  	_ =	shalt  }
0x4a: {  	_ =	shalt  }
0x4b: {  	_ =	shalt  }
0x4c: {  	_ =	shalt  }
0x4d: {  	_ =	shalt  }
0x4e: {  	_ =	shalt  }
0x4f: {  	_ =	shalt  }
0x50: {  	_ =	shalt  }
0x51: {  	_ =	shalt  }
0x52: {  	_ =	shalt  }
0x53: {  	_ =	shalt  }
0x54: {  	_ =	shalt  }
0x55: {  	_ =	shalt  }
0x56: {  	_ =	shalt  }
0x57: {  	_ =	shalt  }
0x58: {  	_ =	shalt  }
0x59: {  	_ =	shalt  }
0x5a: {  	_ =	shalt  }
0x5b: {  	_ =	shalt  }
0x5c: {  	_ =	shalt  }
0x5d: {  	_ =	shalt  }
0x5e: {  	_ =	shalt  }
0x5f: {  	_ =	shalt  }
0x60: {  	_ =	shalt  }
0x61: {  	_ =	shalt  }
0x62: {  	_ =	shalt  }
0x63: {  	_ =	shalt  }
0x64: {  	_ =	shalt  }
0x65: {  	_ =	shalt  }
0x66: {  	_ =	shalt  }
0x67: {  	_ =	shalt  }
0x68: {  	_ =	shalt  }
0x69: {  	_ =	shalt  }
0x6a: {  	_ =	shalt  }
0x6b: {  	_ =	shalt  }
0x6c: {  	_ =	shalt  }
0x6d: {  	_ =	shalt  }
0x6e: {  	_ =	shalt  }
0x6f: {  	_ =	shalt  }
0x70: {  	_ =	shalt  }
0x71: {  	_ =	shalt  }
0x72: {  	_ =	shalt  }
0x73: {  	_ =	shalt  }
0x74: {  	_ =	shalt  }
0x75: {  	_ =	shalt  }
0x76: {  	_ =	shalt  }
0x77: {  	_ =	shalt  }
0x78: {  	_ =	shalt  }
0x79: {  	_ =	shalt  }
0x7a: {  	_ =	shalt  }
0x7b: {  	_ =	shalt  }
0x7c: {  	_ =	shalt  }
0x7d: {  	_ =	shalt  }
0x7e: {  	_ =	shalt  }
0x7f: {  	_ =	shalt  }
0x80: {  	_ =	shalt  }
0x81: {  	_ =	shalt  }
0x82: {  	_ =	shalt  }
0x83: {  	_ =	shalt  }
0x84: {  	_ =	shalt  }
0x85: {  	_ =	shalt  }
0x86: {  	_ =	shalt  }
0x87: {  	_ =	shalt  }
.Lfunc_end0:
.L_simem_size_0:
called_computation_lowered:
.L_overlay_start_0:
0x88: {  	s0 =	sld [smem:$0x3FD9]  }
0x89: {  	s1 =	sld [smem:$0x3FFE];
	_ =	sdelay $0x3  }
0x8a: {  	s0 =	sadd.s32 s1, s0  }
0x8b: {  	s2 =	simm.s32 $0x0;
	[smem:$0x3FC4] =	sst s0  }
0x8c: {  	[smem:$0xF] =	sst s2  }
0x8d: {  	s0 =	sld [smem:$0x3FC9]  }
0x8e: {  	s18 =	sld [smem:$0x3FC8];
	(tm) =	ssettm $0x1  }
0x8f: {  	s3 =	sld [smem:$0x3FFB];
	_ =	sdelay $0x3  }
0x90: {  	_ =	strace s3  }
0x91: {  	s3 =	sld [smem:$0x3FFC];
	_ =	sdelay $0x3  }
0x92: {  	_ =	strace s3  }
0x93: {  	s3 =	sld [smem:$0x3FFD];
	_ =	sdelay $0x3  }
0x94: {  	_ =	strace s3  }
0x95: {  	s19 =	simm.s32 $0x1B8B;
	_ =	strace $0x8FFFFFFF  }
0x96: {  	_ =	swait.ge [sflag:s19], $0x1  }
0x97: {  	[sflag:s19] =	ssyncset.done $0x0  }
0x98: {  	s4 =	simm.s32 $0x1B8E;
	[sflag:s19] =	ssyncadd.s32 $0xFFFFFFFF  }
0x99: {  	[smem:$0x3FD2] =	sst s4  }
0x9a: {  	s21 =	simm.s32 $0x9;
	s20 =	sld [smem:$0x3FFE];
	_ =	strace $0x80000046  }
0x9b: {  	[spmem:s2], [sflag:s21] =	dma.local [hbm:s18], $0x10  }
0x9c: {  	_ =	swait.ge [sflag:s21], $0x10  }
0x9d: {  	[sflag:s21] =	ssyncset.done $0x0  }
0x9e: {  	[sflag:s21] =	ssyncadd.s32 $0xFFFFFFF0  }
0x9f: {  	s22 =	simm.s32 $0x10  }
0xa0: {  	[smem:s22], [sflag:$0x9] =	stream.linear.gather [spmem:s2], $0x80, $0x38  }
0xa1: {  	_ =	swait.ge [sflag:s21], $0x80  }
0xa2: {  	[sflag:s21] =	ssyncset.done $0x0  }
0xa3: {  	[sflag:s21] =	ssyncadd.s32 $0xFFFFFF80  }
0xa4: {  	s23 =	sld [smem:$0x10];
	_ =	sdelay $0x3  }
0xa5: {  	s5 =	sshll.u32 s23, $0xC;
	s2 =	sshll.u32 s23, $0x7  }
0xa6: {  	s5 =	sand.u32 $0xFFFF8000, s5;
	s2 =	sand.u32 $0x380, s2  }
0xa7: {  	s2 =	sor.u32 s2, s5  }
0xa8: {  	s2 =	sshrl.u32 s2, $0x3  }
0xa9: {  	s24 =	simm.s32 $0x1;
	s25 =	simm.s32 $0x80;
	s0 =	sadd.s32 s0, s2  }
0xaa: {  	[spmem:s22@s22], [sflag:s21] =	dma.strided [hbm:s0@s25], $0x200, s24, $0x10   }
0xab: {  	_ =	swait.ge [sflag:s21], $0x200  }
0xac: {  	[sflag:s21] =	ssyncset.done $0x0  }
0xad: {  	[sflag:s21] =	ssyncadd.s32 $0xFFFFFE00  }
0xae: {  	s26 =	sadd.s32 $0x600, s20  }
0xaf: {  	[hbm:s26], [sflag:s21] =	dma.local [spmem:s22], $0x200  }
0xb0: {  	_ =	swait.ge [sflag:s21], $0x200  }
0xb1: {  	[sflag:s21] =	ssyncset.done $0x0  }
0xb2: {  	[sflag:s21] =	ssyncadd.s32 $0xFFFFFE00  }
0xb3: {  	_ =	strace $0x90000046  }
0xb4: {  	_ =	sfence  }
0xb5: {  	s28 =	sld [smem:$0x0];
	_ =	sdelay $0x1  }
0xb6: {  	s29 =	srdreg.scid  }
0xb7: {  	s30 =	sshll.u32 s29, $0xD;
	s31 =	sshrl.u32 s29, $0x2  }
0xb8: {  	s1 =	sand.u32 $0x1, s29;
	s2 =	sand.u32 $0x4000, s30;
	s0 =	sadd.s32 s31, s28  }
0xb9: {  	s1 =	sor.u32 s2, s1;
	s0 =	sshll.u32 s0, $0x11  }
0xba: {  	s0 =	sor.u32 s0, s1  }
0xbb: {  	s0 =	sadd.s32 $0x8F2B, s0;
	(pc) =	sbr.abs _section_cstart, $3  }
0xbc: {  	[sflag:s0] =	ssyncadd.remote.s32 $0x1  }
0xbd: {  	_ =	strace $0x9FFFFFFF  }
0xbe: {  	(tm) =	ssettm $0x7FFFFFFF  }
0xbf: {  	_ =	shalt  }

</sc_bundles>
